<compile_context>
chip_gen: v7x
topology: tpu7x:2x2x1
jax: 0.10.2.dev20260603
libtpu: 0.0.44.dev20260713+nightly
codegen_flags: <defaults>
</compile_context>

<pallas_src>
import functools

import jax
import jax.numpy as jnp
from jax import lax
from jax.experimental import pallas as pl
from jax.experimental.pallas import tpu as pltpu
from jax.experimental.pallas import tpu_sc as plsc

MUX_COUNT = 8
N_CHUNKS = 4


@functools.cache
def _build_mux_demux(num_rows: int, feat: int):
    info = plsc.get_sparse_core_info()
    nc, ns, nl = info.num_cores, info.num_subcores, info.num_lanes
    nw = nc * ns
    assert num_rows % (8 * nw) == 0
    rows_per_w = num_rows // nw
    chunk = rows_per_w // N_CHUNKS
    assert chunk % nl == 0
    mesh = plsc.VectorSubcoreMesh(core_axis_name="c", subcore_axis_name="s")

    @functools.partial(
        pl.kernel,
        mesh=mesh,
        out_type=jax.ShapeDtypeStruct((num_rows, feat), jnp.float32),
        scratch_types=[
            pltpu.VMEM((N_CHUNKS, chunk), jnp.int32),
            pltpu.VMEM((rows_per_w, feat), jnp.float32),
            pltpu.SemaphoreType.DMA,
            pltpu.SemaphoreType.DMA,
        ],
    )
    def mux_demux(x_hbm, out_hbm, idx_v, rows_v, gsem, ssem):
        wid = lax.axis_index("s") * nc + lax.axis_index("c")
        base = wid * rows_per_w
        lane = lax.iota(jnp.int32, nl)
        for j in range(rows_per_w // nl):
            idx_v[j // (chunk // nl), pl.ds((j % (chunk // nl)) * nl, nl)] = (
                lane + (base + j * nl)
            )
        gets = [
            pltpu.async_copy(
                x_hbm.at[idx_v.at[c]], rows_v.at[pl.ds(c * chunk, chunk)], gsem
            )
            for c in range(N_CHUNKS)
        ]
        puts = []
        for c in range(N_CHUNKS):
            gets[c].wait()
            puts.append(
                pltpu.async_copy(
                    rows_v.at[pl.ds(c * chunk, chunk)],
                    out_hbm.at[pl.ds(base + c * chunk, chunk)],
                    ssem,
                )
            )
        for p in puts:
            p.wait()

    return mux_demux


def kernel(x):
    num_rows, feat = x.shape
    return _build_mux_demux(num_rows, feat)(x)

# --- scband reference (transcript-rebuilt; emitter-appended) ---
"""Pipeline reference for scband-sam3-1-multiplex-controller-15118284882040 (READ-ONLY COPY).

The authoritative reference and input builder live on the scoring server;
editing this copy changes nothing except your own understanding.
"""

import math
import jax, jax.numpy as jnp
import numpy as np

MULTIPLEX_COUNT = 8


def _build_matrices(num_valid_entries, multiplex_count):
    # Module is in training mode by default: allowed_bucket_capacity == multiplex_count
    allowed = multiplex_count
    num_buckets = math.ceil(num_valid_entries / allowed)
    total = num_buckets * allowed
    ids = np.arange(num_valid_entries, dtype=np.int64)
    if ids.shape[0] < total:
        ids = np.concatenate([ids, np.full(total - ids.shape[0], -1, dtype=np.int64)])
    # assignments[bucket][slot] flattened row-major == ids (allowed == multiplex_count, so no extra slot padding)
    mux = np.zeros((total, num_valid_entries), dtype=np.float32)
    for flat_idx, obj in enumerate(ids.tolist()):
        if obj >= 0:
            mux[flat_idx, obj] = 1.0
    demux = mux.T.copy()
    return jnp.asarray(mux), jnp.asarray(demux), num_buckets


def setup_inputs(seed: int = 0) -> dict:
    key = jax.random.key(seed)
    x = jax.random.normal(key, (4096, 256), dtype=jnp.float32)
    return {"x": x}


def reference(x):
    num_valid = x.shape[0]
    mux_matrix, demux_matrix, num_buckets = _build_matrices(num_valid, MULTIPLEX_COUNT)
    # Sam3_1MultiplexState.mux
    muxed = (mux_matrix @ x.reshape(x.shape[0], -1)).reshape((num_buckets, MULTIPLEX_COUNT) + x.shape[1:])
    # Sam3_1MultiplexState.demux
    demuxed = (demux_matrix @ muxed.reshape(num_buckets * MULTIPLEX_COUNT, -1)).reshape((num_valid,) + x.shape[1:])
    return demuxed

if __name__ == "__main__":
    import jax
    _d = setup_inputs()
    print(jax.jit(kernel)(*tuple(_d.values())))

</pallas_src>

<mosaic_0001>
#map = affine_map<(d0, d1) -> (0, 0)>
module attributes {stable_mosaic.version = 14 : i64} {
  func.func @mux_demux(%arg0: i32, %arg1: i32, %arg2: memref<4096x256xf32, #tpu.memory_space<hbm>>, %arg3: memref<4096x256xf32, #tpu.memory_space<hbm>>, %arg4: memref<4x32xi32, #tpu.memory_space<vmem>>, %arg5: memref<128x256xf32, #tpu.memory_space<vmem>>, %arg6: memref<!tpu.dma_semaphore, #tpu.memory_space<semaphore_mem>>, %arg7: memref<!tpu.dma_semaphore, #tpu.memory_space<semaphore_mem>>) attributes {dimension_semantics = [#tpu.dimension_semantics<core_parallel>, #tpu.dimension_semantics<subcore_parallel>], iteration_bounds = array<i64: 2, 16>, scalar_prefetch = 0 : i64, scratch_operands = 4 : i64, tpu.core_type = #tpu.core_type<sc_vector_subcore>, window_params = [{transform_indices = #map}, {transform_indices = #map}]} {
    %mul3A = arith.constant 2 : i32
    %mul3A_0 = arith.muli %arg1, %mul3A : i32
    %add3A = arith.addi %mul3A_0, %arg0 : i32
    %mul3A_1 = arith.constant 128 : i32
    %mul3A_2 = arith.muli %add3A, %mul3A_1 : i32
    %iota3A = tpu.iota {dimensions = array<i32: 0>} : vector<16xi32>
    %add3A_3 = arith.constant 0 : i32
    %add3A_4 = arith.addi %mul3A_2, %add3A_3 : i32
    %add3A_5 = vector.broadcast %add3A_4 : i32 to vector<16xi32>
    %add3A_6 = arith.addi %iota3A, %add3A_5 : vector<16xi32>
    %swap3A = arith.constant 0 : i32
    %swap3A_7 = arith.index_cast %swap3A : i32 to index
    %swap3A_8 = arith.constant 0 : index
    %swap3A_9 = tpu.vector_load %arg4[%swap3A_7, %swap3A_8] {strides = array<i32>} : memref<4x32xi32, #tpu.memory_space<vmem>>, vector<1x16xi32>,
    %swap3A_10 = vector.shape_cast %swap3A_9 : vector<1x16xi32> to vector<16xi32>
    %swap3A_11 = vector.shape_cast %add3A_6 : vector<16xi32> to vector<1x16xi32>
    tpu.vector_store %arg4[%swap3A_7, %swap3A_8], %swap3A_11 {strides = array<i32>} : memref<4x32xi32, #tpu.memory_space<vmem>>, vector<1x16xi32>,
    %add3A_12 = arith.constant 16 : i32
    %add3A_13 = arith.addi %mul3A_2, %add3A_12 : i32
    %add3A_14 = vector.broadcast %add3A_13 : i32 to vector<16xi32>
    %add3A_15 = arith.addi %iota3A, %add3A_14 : vector<16xi32>
    %swap3A_16 = arith.constant 0 : i32
    %swap3A_17 = arith.index_cast %swap3A_16 : i32 to index
    %swap3A_18 = arith.constant 16 : index
    %swap3A_19 = tpu.vector_load %arg4[%swap3A_17, %swap3A_18] {strides = array<i32>} : memref<4x32xi32, #tpu.memory_space<vmem>>, vector<1x16xi32>,
    %swap3A_20 = vector.shape_cast %swap3A_19 : vector<1x16xi32> to vector<16xi32>
    %swap3A_21 = vector.shape_cast %add3A_15 : vector<16xi32> to vector<1x16xi32>
    tpu.vector_store %arg4[%swap3A_17, %swap3A_18], %swap3A_21 {strides = array<i32>} : memref<4x32xi32, #tpu.memory_space<vmem>>, vector<1x16xi32>,
    %add3A_22 = arith.constant 32 : i32
    %add3A_23 = arith.addi %mul3A_2, %add3A_22 : i32
    %add3A_24 = vector.broadcast %add3A_23 : i32 to vector<16xi32>
    %add3A_25 = arith.addi %iota3A, %add3A_24 : vector<16xi32>
    %swap3A_26 = arith.constant 1 : i32
    %swap3A_27 = arith.index_cast %swap3A_26 : i32 to index
    %swap3A_28 = arith.constant 0 : index
    %swap3A_29 = tpu.vector_load %arg4[%swap3A_27, %swap3A_28] {strides = array<i32>} : memref<4x32xi32, #tpu.memory_space<vmem>>, vector<1x16xi32>,
    %swap3A_30 = vector.shape_cast %swap3A_29 : vector<1x16xi32> to vector<16xi32>
    %swap3A_31 = vector.shape_cast %add3A_25 : vector<16xi32> to vector<1x16xi32>
    tpu.vector_store %arg4[%swap3A_27, %swap3A_28], %swap3A_31 {strides = array<i32>} : memref<4x32xi32, #tpu.memory_space<vmem>>, vector<1x16xi32>,
    %add3A_32 = arith.constant 48 : i32
    %add3A_33 = arith.addi %mul3A_2, %add3A_32 : i32
    %add3A_34 = vector.broadcast %add3A_33 : i32 to vector<16xi32>
    %add3A_35 = arith.addi %iota3A, %add3A_34 : vector<16xi32>
    %swap3A_36 = arith.constant 1 : i32
    %swap3A_37 = arith.index_cast %swap3A_36 : i32 to index
    %swap3A_38 = arith.constant 16 : index
    %swap3A_39 = tpu.vector_load %arg4[%swap3A_37, %swap3A_38] {strides = array<i32>} : memref<4x32xi32, #tpu.memory_space<vmem>>, vector<1x16xi32>,
    %swap3A_40 = vector.shape_cast %swap3A_39 : vector<1x16xi32> to vector<16xi32>
    %swap3A_41 = vector.shape_cast %add3A_35 : vector<16xi32> to vector<1x16xi32>
    tpu.vector_store %arg4[%swap3A_37, %swap3A_38], %swap3A_41 {strides = array<i32>} : memref<4x32xi32, #tpu.memory_space<vmem>>, vector<1x16xi32>,
    %add3A_42 = arith.constant 64 : i32
    %add3A_43 = arith.addi %mul3A_2, %add3A_42 : i32
    %add3A_44 = vector.broadcast %add3A_43 : i32 to vector<16xi32>
    %add3A_45 = arith.addi %iota3A, %add3A_44 : vector<16xi32>
    %swap3A_46 = arith.constant 2 : i32
    %swap3A_47 = arith.index_cast %swap3A_46 : i32 to index
    %swap3A_48 = arith.constant 0 : index
    %swap3A_49 = tpu.vector_load %arg4[%swap3A_47, %swap3A_48] {strides = array<i32>} : memref<4x32xi32, #tpu.memory_space<vmem>>, vector<1x16xi32>,
    %swap3A_50 = vector.shape_cast %swap3A_49 : vector<1x16xi32> to vector<16xi32>
    %swap3A_51 = vector.shape_cast %add3A_45 : vector<16xi32> to vector<1x16xi32>
    tpu.vector_store %arg4[%swap3A_47, %swap3A_48], %swap3A_51 {strides = array<i32>} : memref<4x32xi32, #tpu.memory_space<vmem>>, vector<1x16xi32>,
    %add3A_52 = arith.constant 80 : i32
    %add3A_53 = arith.addi %mul3A_2, %add3A_52 : i32
    %add3A_54 = vector.broadcast %add3A_53 : i32 to vector<16xi32>
    %add3A_55 = arith.addi %iota3A, %add3A_54 : vector<16xi32>
    %swap3A_56 = arith.constant 2 : i32
    %swap3A_57 = arith.index_cast %swap3A_56 : i32 to index
    %swap3A_58 = arith.constant 16 : index
    %swap3A_59 = tpu.vector_load %arg4[%swap3A_57, %swap3A_58] {strides = array<i32>} : memref<4x32xi32, #tpu.memory_space<vmem>>, vector<1x16xi32>,
    %swap3A_60 = vector.shape_cast %swap3A_59 : vector<1x16xi32> to vector<16xi32>
    %swap3A_61 = vector.shape_cast %add3A_55 : vector<16xi32> to vector<1x16xi32>
    tpu.vector_store %arg4[%swap3A_57, %swap3A_58], %swap3A_61 {strides = array<i32>} : memref<4x32xi32, #tpu.memory_space<vmem>>, vector<1x16xi32>,
    %add3A_62 = arith.constant 96 : i32
    %add3A_63 = arith.addi %mul3A_2, %add3A_62 : i32
    %add3A_64 = vector.broadcast %add3A_63 : i32 to vector<16xi32>
    %add3A_65 = arith.addi %iota3A, %add3A_64 : vector<16xi32>
    %swap3A_66 = arith.constant 3 : i32
    %swap3A_67 = arith.index_cast %swap3A_66 : i32 to index
    %swap3A_68 = arith.constant 0 : index
    %swap3A_69 = tpu.vector_load %arg4[%swap3A_67, %swap3A_68] {strides = array<i32>} : memref<4x32xi32, #tpu.memory_space<vmem>>, vector<1x16xi32>,
    %swap3A_70 = vector.shape_cast %swap3A_69 : vector<1x16xi32> to vector<16xi32>
    %swap3A_71 = vector.shape_cast %add3A_65 : vector<16xi32> to vector<1x16xi32>
    tpu.vector_store %arg4[%swap3A_67, %swap3A_68], %swap3A_71 {strides = array<i32>} : memref<4x32xi32, #tpu.memory_space<vmem>>, vector<1x16xi32>,
    %add3A_72 = arith.constant 112 : i32
    %add3A_73 = arith.addi %mul3A_2, %add3A_72 : i32
    %add3A_74 = vector.broadcast %add3A_73 : i32 to vector<16xi32>
    %add3A_75 = arith.addi %iota3A, %add3A_74 : vector<16xi32>
    %swap3A_76 = arith.constant 3 : i32
    %swap3A_77 = arith.index_cast %swap3A_76 : i32 to index
    %swap3A_78 = arith.constant 16 : index
    %swap3A_79 = tpu.vector_load %arg4[%swap3A_77, %swap3A_78] {strides = array<i32>} : memref<4x32xi32, #tpu.memory_space<vmem>>, vector<1x16xi32>,
    %swap3A_80 = vector.shape_cast %swap3A_79 : vector<1x16xi32> to vector<16xi32>
    %swap3A_81 = vector.shape_cast %add3A_75 : vector<16xi32> to vector<1x16xi32>
    tpu.vector_store %arg4[%swap3A_77, %swap3A_78], %swap3A_81 {strides = array<i32>} : memref<4x32xi32, #tpu.memory_space<vmem>>, vector<1x16xi32>,
    %dma_start3A = arith.constant 0 : i32
    %dma_start3A_82 = arith.constant 0 : i32
    %dma_start3A_83 = arith.constant 0 : i32
    %dma_start3A_84 = tpu.memref_slice %arg5[%dma_start3A_82, %dma_start3A_83] : memref<128x256xf32, #tpu.memory_space<vmem>> -> memref<32x256xf32, #tpu.memory_space<vmem>>
    %dma_start3A_85 = arith.constant 0 : i32
    %dma_start3A_86 = tpu.memref_slice %arg4[%dma_start3A, %dma_start3A_85] : memref<4x32xi32, #tpu.memory_space<vmem>> -> memref<1x32xi32, #tpu.memory_space<vmem>>
    %dma_start3A_87 = tpu.memref_squeeze %dma_start3A_86 : memref<1x32xi32, #tpu.memory_space<vmem>> -> memref<32xi32, #tpu.memory_space<vmem>>
    %dma_start3A_88 = arith.constant 0 : i32
    %dma_start3A_89 = arith.constant 0 : i32
    %dma_start3A_90 = tpu.memref_slice %arg2[%dma_start3A_88, %dma_start3A_89] : memref<4096x256xf32, #tpu.memory_space<hbm>> -> memref<4096x256xf32, #tpu.memory_space<hbm>>
    tpu.enqueue_indirect_dma source(%dma_start3A_90 : memref<4096x256xf32, #tpu.memory_space<hbm>>) target(%dma_start3A_84 : memref<32x256xf32, #tpu.memory_space<vmem>>) offsets(%dma_start3A_87 : memref<32xi32, #tpu.memory_space<vmem>>) semaphore(%arg6 : memref<!tpu.dma_semaphore, #tpu.memory_space<semaphore_mem>>)
    %dma_start3A_91 = arith.constant 1 : i32
    %dma_start3A_92 = arith.constant 32 : i32
    %dma_start3A_93 = arith.constant 0 : i32
    %dma_start3A_94 = tpu.memref_slice %arg5[%dma_start3A_92, %dma_start3A_93] : memref<128x256xf32, #tpu.memory_space<vmem>> -> memref<32x256xf32, #tpu.memory_space<vmem>>
    %dma_start3A_95 = arith.constant 0 : i32
    %dma_start3A_96 = tpu.memref_slice %arg4[%dma_start3A_91, %dma_start3A_95] : memref<4x32xi32, #tpu.memory_space<vmem>> -> memref<1x32xi32, #tpu.memory_space<vmem>>
    %dma_start3A_97 = tpu.memref_squeeze %dma_start3A_96 : memref<1x32xi32, #tpu.memory_space<vmem>> -> memref<32xi32, #tpu.memory_space<vmem>>
    %dma_start3A_98 = arith.constant 0 : i32
    %dma_start3A_99 = arith.constant 0 : i32
    %dma_start3A_100 = tpu.memref_slice %arg2[%dma_start3A_98, %dma_start3A_99] : memref<4096x256xf32, #tpu.memory_space<hbm>> -> memref<4096x256xf32, #tpu.memory_space<hbm>>
    tpu.enqueue_indirect_dma source(%dma_start3A_100 : memref<4096x256xf32, #tpu.memory_space<hbm>>) target(%dma_start3A_94 : memref<32x256xf32, #tpu.memory_space<vmem>>) offsets(%dma_start3A_97 : memref<32xi32, #tpu.memory_space<vmem>>) semaphore(%arg6 : memref<!tpu.dma_semaphore, #tpu.memory_space<semaphore_mem>>)
    %dma_start3A_101 = arith.constant 2 : i32
    %dma_start3A_102 = arith.constant 64 : i32
    %dma_start3A_103 = arith.constant 0 : i32
    %dma_start3A_104 = tpu.memref_slice %arg5[%dma_start3A_102, %dma_start3A_103] : memref<128x256xf32, #tpu.memory_space<vmem>> -> memref<32x256xf32, #tpu.memory_space<vmem>>
    %dma_start3A_105 = arith.constant 0 : i32
    %dma_start3A_106 = tpu.memref_slice %arg4[%dma_start3A_101, %dma_start3A_105] : memref<4x32xi32, #tpu.memory_space<vmem>> -> memref<1x32xi32, #tpu.memory_space<vmem>>
    %dma_start3A_107 = tpu.memref_squeeze %dma_start3A_106 : memref<1x32xi32, #tpu.memory_space<vmem>> -> memref<32xi32, #tpu.memory_space<vmem>>
    %dma_start3A_108 = arith.constant 0 : i32
    %dma_start3A_109 = arith.constant 0 : i32
    %dma_start3A_110 = tpu.memref_slice %arg2[%dma_start3A_108, %dma_start3A_109] : memref<4096x256xf32, #tpu.memory_space<hbm>> -> memref<4096x256xf32, #tpu.memory_space<hbm>>
    tpu.enqueue_indirect_dma source(%dma_start3A_110 : memref<4096x256xf32, #tpu.memory_space<hbm>>) target(%dma_start3A_104 : memref<32x256xf32, #tpu.memory_space<vmem>>) offsets(%dma_start3A_107 : memref<32xi32, #tpu.memory_space<vmem>>) semaphore(%arg6 : memref<!tpu.dma_semaphore, #tpu.memory_space<semaphore_mem>>)
    %dma_start3A_111 = arith.constant 3 : i32
    %dma_start3A_112 = arith.constant 96 : i32
    %dma_start3A_113 = arith.constant 0 : i32
    %dma_start3A_114 = tpu.memref_slice %arg5[%dma_start3A_112, %dma_start3A_113] : memref<128x256xf32, #tpu.memory_space<vmem>> -> memref<32x256xf32, #tpu.memory_space<vmem>>
    %dma_start3A_115 = arith.constant 0 : i32
    %dma_start3A_116 = tpu.memref_slice %arg4[%dma_start3A_111, %dma_start3A_115] : memref<4x32xi32, #tpu.memory_space<vmem>> -> memref<1x32xi32, #tpu.memory_space<vmem>>
    %dma_start3A_117 = tpu.memref_squeeze %dma_start3A_116 : memref<1x32xi32, #tpu.memory_space<vmem>> -> memref<32xi32, #tpu.memory_space<vmem>>
    %dma_start3A_118 = arith.constant 0 : i32
    %dma_start3A_119 = arith.constant 0 : i32
    %dma_start3A_120 = tpu.memref_slice %arg2[%dma_start3A_118, %dma_start3A_119] : memref<4096x256xf32, #tpu.memory_space<hbm>> -> memref<4096x256xf32, #tpu.memory_space<hbm>>
    tpu.enqueue_indirect_dma source(%dma_start3A_120 : memref<4096x256xf32, #tpu.memory_space<hbm>>) target(%dma_start3A_114 : memref<32x256xf32, #tpu.memory_space<vmem>>) offsets(%dma_start3A_117 : memref<32xi32, #tpu.memory_space<vmem>>) semaphore(%arg6 : memref<!tpu.dma_semaphore, #tpu.memory_space<semaphore_mem>>)
    %dma_wait3A = arith.constant 0 : i32
    %dma_wait3A_121 = arith.constant 0 : i32
    %dma_wait3A_122 = arith.constant 0 : i32
    %dma_wait3A_123 = tpu.memref_slice %arg5[%dma_wait3A_121, %dma_wait3A_122] : memref<128x256xf32, #tpu.memory_space<vmem>> -> memref<32x256xf32, #tpu.memory_space<vmem>>
    %dma_wait3A_124 = arith.constant 0 : i32
    %dma_wait3A_125 = tpu.memref_slice %arg4[%dma_wait3A, %dma_wait3A_124] : memref<4x32xi32, #tpu.memory_space<vmem>> -> memref<1x32xi32, #tpu.memory_space<vmem>>
    %dma_wait3A_126 = tpu.memref_squeeze %dma_wait3A_125 : memref<1x32xi32, #tpu.memory_space<vmem>> -> memref<32xi32, #tpu.memory_space<vmem>>
    %dma_wait3A_127 = arith.constant 0 : i32
    %dma_wait3A_128 = arith.constant 0 : i32
    %dma_wait3A_129 = tpu.memref_slice %arg2[%dma_wait3A_127, %dma_wait3A_128] : memref<4096x256xf32, #tpu.memory_space<hbm>> -> memref<4096x256xf32, #tpu.memory_space<hbm>>
    tpu.wait_indirect_dma semaphore(%arg6 : memref<!tpu.dma_semaphore, #tpu.memory_space<semaphore_mem>>) src(%dma_wait3A_129 : memref<4096x256xf32, #tpu.memory_space<hbm>>) dst(%dma_wait3A_123 : memref<32x256xf32, #tpu.memory_space<vmem>>)
    %add3A_130 = arith.constant 0 : i32
    %add3A_131 = arith.addi %mul3A_2, %add3A_130 : i32
    %dma_start3A_132 = arith.constant 0 : i32
    %dma_start3A_133 = arith.constant 0 : i32
    %dma_start3A_134 = tpu.memref_slice %arg5[%dma_start3A_132, %dma_start3A_133] : memref<128x256xf32, #tpu.memory_space<vmem>> -> memref<32x256xf32, #tpu.memory_space<vmem>>
    %dma_start3A_135 = arith.constant 0 : i32
    %dma_start3A_136 = tpu.memref_slice %arg3[%add3A_131, %dma_start3A_135] : memref<4096x256xf32, #tpu.memory_space<hbm>> -> memref<32x256xf32, #tpu.memory_space<hbm>>
    %dma_start3A_137 = arith.constant 0 : i32
    %dma_start3A_138 = tpu.memref_slice %arg3[%add3A_131, %dma_start3A_137] : memref<4096x256xf32, #tpu.memory_space<hbm>> -> memref<32x256xf32, #tpu.memory_space<hbm>>
    %dma_start3A_139 = arith.constant 0 : i32
    %dma_start3A_140 = arith.constant 0 : i32
    %dma_start3A_141 = tpu.memref_slice %arg5[%dma_start3A_139, %dma_start3A_140] : memref<128x256xf32, #tpu.memory_space<vmem>> -> memref<32x256xf32, #tpu.memory_space<vmem>>
    tpu.enqueue_dma source(%dma_start3A_141 : memref<32x256xf32, #tpu.memory_space<vmem>>) target(%dma_start3A_138 : memref<32x256xf32, #tpu.memory_space<hbm>>) target_semaphore(%arg7 : memref<!tpu.dma_semaphore, #tpu.memory_space<semaphore_mem>>)
    %dma_wait3A_142 = arith.constant 1 : i32
    %dma_wait3A_143 = arith.constant 32 : i32
    %dma_wait3A_144 = arith.constant 0 : i32
    %dma_wait3A_145 = tpu.memref_slice %arg5[%dma_wait3A_143, %dma_wait3A_144] : memref<128x256xf32, #tpu.memory_space<vmem>> -> memref<32x256xf32, #tpu.memory_space<vmem>>
    %dma_wait3A_146 = arith.constant 0 : i32
    %dma_wait3A_147 = tpu.memref_slice %arg4[%dma_wait3A_142, %dma_wait3A_146] : memref<4x32xi32, #tpu.memory_space<vmem>> -> memref<1x32xi32, #tpu.memory_space<vmem>>
    %dma_wait3A_148 = tpu.memref_squeeze %dma_wait3A_147 : memref<1x32xi32, #tpu.memory_space<vmem>> -> memref<32xi32, #tpu.memory_space<vmem>>
    %dma_wait3A_149 = arith.constant 0 : i32
    %dma_wait3A_150 = arith.constant 0 : i32
    %dma_wait3A_151 = tpu.memref_slice %arg2[%dma_wait3A_149, %dma_wait3A_150] : memref<4096x256xf32, #tpu.memory_space<hbm>> -> memref<4096x256xf32, #tpu.memory_space<hbm>>
    tpu.wait_indirect_dma semaphore(%arg6 : memref<!tpu.dma_semaphore, #tpu.memory_space<semaphore_mem>>) src(%dma_wait3A_151 : memref<4096x256xf32, #tpu.memory_space<hbm>>) dst(%dma_wait3A_145 : memref<32x256xf32, #tpu.memory_space<vmem>>)
    %add3A_152 = arith.constant 32 : i32
    %add3A_153 = arith.addi %mul3A_2, %add3A_152 : i32
    %dma_start3A_154 = arith.constant 32 : i32
    %dma_start3A_155 = arith.constant 0 : i32
    %dma_start3A_156 = tpu.memref_slice %arg5[%dma_start3A_154, %dma_start3A_155] : memref<128x256xf32, #tpu.memory_space<vmem>> -> memref<32x256xf32, #tpu.memory_space<vmem>>
    %dma_start3A_157 = arith.constant 0 : i32
    %dma_start3A_158 = tpu.memref_slice %arg3[%add3A_153, %dma_start3A_157] : memref<4096x256xf32, #tpu.memory_space<hbm>> -> memref<32x256xf32, #tpu.memory_space<hbm>>
    %dma_start3A_159 = arith.constant 0 : i32
    %dma_start3A_160 = tpu.memref_slice %arg3[%add3A_153, %dma_start3A_159] : memref<4096x256xf32, #tpu.memory_space<hbm>> -> memref<32x256xf32, #tpu.memory_space<hbm>>
    %dma_start3A_161 = arith.constant 32 : i32
    %dma_start3A_162 = arith.constant 0 : i32
    %dma_start3A_163 = tpu.memref_slice %arg5[%dma_start3A_161, %dma_start3A_162] : memref<128x256xf32, #tpu.memory_space<vmem>> -> memref<32x256xf32, #tpu.memory_space<vmem>>
    tpu.enqueue_dma source(%dma_start3A_163 : memref<32x256xf32, #tpu.memory_space<vmem>>) target(%dma_start3A_160 : memref<32x256xf32, #tpu.memory_space<hbm>>) target_semaphore(%arg7 : memref<!tpu.dma_semaphore, #tpu.memory_space<semaphore_mem>>)
    %dma_wait3A_164 = arith.constant 2 : i32
    %dma_wait3A_165 = arith.constant 64 : i32
    %dma_wait3A_166 = arith.constant 0 : i32
    %dma_wait3A_167 = tpu.memref_slice %arg5[%dma_wait3A_165, %dma_wait3A_166] : memref<128x256xf32, #tpu.memory_space<vmem>> -> memref<32x256xf32, #tpu.memory_space<vmem>>
    %dma_wait3A_168 = arith.constant 0 : i32
    %dma_wait3A_169 = tpu.memref_slice %arg4[%dma_wait3A_164, %dma_wait3A_168] : memref<4x32xi32, #tpu.memory_space<vmem>> -> memref<1x32xi32, #tpu.memory_space<vmem>>
    %dma_wait3A_170 = tpu.memref_squeeze %dma_wait3A_169 : memref<1x32xi32, #tpu.memory_space<vmem>> -> memref<32xi32, #tpu.memory_space<vmem>>
    %dma_wait3A_171 = arith.constant 0 : i32
    %dma_wait3A_172 = arith.constant 0 : i32
    %dma_wait3A_173 = tpu.memref_slice %arg2[%dma_wait3A_171, %dma_wait3A_172] : memref<4096x256xf32, #tpu.memory_space<hbm>> -> memref<4096x256xf32, #tpu.memory_space<hbm>>
    tpu.wait_indirect_dma semaphore(%arg6 : memref<!tpu.dma_semaphore, #tpu.memory_space<semaphore_mem>>) src(%dma_wait3A_173 : memref<4096x256xf32, #tpu.memory_space<hbm>>) dst(%dma_wait3A_167 : memref<32x256xf32, #tpu.memory_space<vmem>>)
    %add3A_174 = arith.constant 64 : i32
    %add3A_175 = arith.addi %mul3A_2, %add3A_174 : i32
    %dma_start3A_176 = arith.constant 64 : i32
    %dma_start3A_177 = arith.constant 0 : i32
    %dma_start3A_178 = tpu.memref_slice %arg5[%dma_start3A_176, %dma_start3A_177] : memref<128x256xf32, #tpu.memory_space<vmem>> -> memref<32x256xf32, #tpu.memory_space<vmem>>
    %dma_start3A_179 = arith.constant 0 : i32
    %dma_start3A_180 = tpu.memref_slice %arg3[%add3A_175, %dma_start3A_179] : memref<4096x256xf32, #tpu.memory_space<hbm>> -> memref<32x256xf32, #tpu.memory_space<hbm>>
    %dma_start3A_181 = arith.constant 0 : i32
    %dma_start3A_182 = tpu.memref_slice %arg3[%add3A_175, %dma_start3A_181] : memref<4096x256xf32, #tpu.memory_space<hbm>> -> memref<32x256xf32, #tpu.memory_space<hbm>>
    %dma_start3A_183 = arith.constant 64 : i32
    %dma_start3A_184 = arith.constant 0 : i32
    %dma_start3A_185 = tpu.memref_slice %arg5[%dma_start3A_183, %dma_start3A_184] : memref<128x256xf32, #tpu.memory_space<vmem>> -> memref<32x256xf32, #tpu.memory_space<vmem>>
    tpu.enqueue_dma source(%dma_start3A_185 : memref<32x256xf32, #tpu.memory_space<vmem>>) target(%dma_start3A_182 : memref<32x256xf32, #tpu.memory_space<hbm>>) target_semaphore(%arg7 : memref<!tpu.dma_semaphore, #tpu.memory_space<semaphore_mem>>)
    %dma_wait3A_186 = arith.constant 3 : i32
    %dma_wait3A_187 = arith.constant 96 : i32
    %dma_wait3A_188 = arith.constant 0 : i32
    %dma_wait3A_189 = tpu.memref_slice %arg5[%dma_wait3A_187, %dma_wait3A_188] : memref<128x256xf32, #tpu.memory_space<vmem>> -> memref<32x256xf32, #tpu.memory_space<vmem>>
    %dma_wait3A_190 = arith.constant 0 : i32
    %dma_wait3A_191 = tpu.memref_slice %arg4[%dma_wait3A_186, %dma_wait3A_190] : memref<4x32xi32, #tpu.memory_space<vmem>> -> memref<1x32xi32, #tpu.memory_space<vmem>>
    %dma_wait3A_192 = tpu.memref_squeeze %dma_wait3A_191 : memref<1x32xi32, #tpu.memory_space<vmem>> -> memref<32xi32, #tpu.memory_space<vmem>>
    %dma_wait3A_193 = arith.constant 0 : i32
    %dma_wait3A_194 = arith.constant 0 : i32
    %dma_wait3A_195 = tpu.memref_slice %arg2[%dma_wait3A_193, %dma_wait3A_194] : memref<4096x256xf32, #tpu.memory_space<hbm>> -> memref<4096x256xf32, #tpu.memory_space<hbm>>
    tpu.wait_indirect_dma semaphore(%arg6 : memref<!tpu.dma_semaphore, #tpu.memory_space<semaphore_mem>>) src(%dma_wait3A_195 : memref<4096x256xf32, #tpu.memory_space<hbm>>) dst(%dma_wait3A_189 : memref<32x256xf32, #tpu.memory_space<vmem>>)
    %add3A_196 = arith.constant 96 : i32
    %add3A_197 = arith.addi %mul3A_2, %add3A_196 : i32
    %dma_start3A_198 = arith.constant 96 : i32
    %dma_start3A_199 = arith.constant 0 : i32
    %dma_start3A_200 = tpu.memref_slice %arg5[%dma_start3A_198, %dma_start3A_199] : memref<128x256xf32, #tpu.memory_space<vmem>> -> memref<32x256xf32, #tpu.memory_space<vmem>>
    %dma_start3A_201 = arith.constant 0 : i32
    %dma_start3A_202 = tpu.memref_slice %arg3[%add3A_197, %dma_start3A_201] : memref<4096x256xf32, #tpu.memory_space<hbm>> -> memref<32x256xf32, #tpu.memory_space<hbm>>
    %dma_start3A_203 = arith.constant 0 : i32
    %dma_start3A_204 = tpu.memref_slice %arg3[%add3A_197, %dma_start3A_203] : memref<4096x256xf32, #tpu.memory_space<hbm>> -> memref<32x256xf32, #tpu.memory_space<hbm>>
    %dma_start3A_205 = arith.constant 96 : i32
    %dma_start3A_206 = arith.constant 0 : i32
    %dma_start3A_207 = tpu.memref_slice %arg5[%dma_start3A_205, %dma_start3A_206] : memref<128x256xf32, #tpu.memory_space<vmem>> -> memref<32x256xf32, #tpu.memory_space<vmem>>
    tpu.enqueue_dma source(%dma_start3A_207 : memref<32x256xf32, #tpu.memory_space<vmem>>) target(%dma_start3A_204 : memref<32x256xf32, #tpu.memory_space<hbm>>) target_semaphore(%arg7 : memref<!tpu.dma_semaphore, #tpu.memory_space<semaphore_mem>>)
    %dma_wait3A_208 = arith.constant 0 : i32
    %dma_wait3A_209 = arith.constant 0 : i32
    %dma_wait3A_210 = tpu.memref_slice %arg5[%dma_wait3A_208, %dma_wait3A_209] : memref<128x256xf32, #tpu.memory_space<vmem>> -> memref<32x256xf32, #tpu.memory_space<vmem>>
    %dma_wait3A_211 = arith.constant 0 : i32
    %dma_wait3A_212 = tpu.memref_slice %arg3[%add3A_131, %dma_wait3A_211] : memref<4096x256xf32, #tpu.memory_space<hbm>> -> memref<32x256xf32, #tpu.memory_space<hbm>>
    %dma_wait3A_213 = arith.constant 0 : i32
    %dma_wait3A_214 = tpu.memref_slice %arg3[%add3A_131, %dma_wait3A_213] : memref<4096x256xf32, #tpu.memory_space<hbm>> -> memref<32x256xf32, #tpu.memory_space<hbm>>
    %dma_wait3A_215 = arith.constant 0 : i32
    %dma_wait3A_216 = arith.constant 0 : i32
    %dma_wait3A_217 = tpu.memref_slice %arg5[%dma_wait3A_215, %dma_wait3A_216] : memref<128x256xf32, #tpu.memory_space<vmem>> -> memref<32x256xf32, #tpu.memory_space<vmem>>
    tpu.wait_dma2 semaphore(%arg7 : memref<!tpu.dma_semaphore, #tpu.memory_space<semaphore_mem>>) src(%dma_wait3A_217 : memref<32x256xf32, #tpu.memory_space<vmem>>) dst(%dma_wait3A_214 : memref<32x256xf32, #tpu.memory_space<hbm>>)
    %dma_wait3A_218 = arith.constant 32 : i32
    %dma_wait3A_219 = arith.constant 0 : i32
    %dma_wait3A_220 = tpu.memref_slice %arg5[%dma_wait3A_218, %dma_wait3A_219] : memref<128x256xf32, #tpu.memory_space<vmem>> -> memref<32x256xf32, #tpu.memory_space<vmem>>
    %dma_wait3A_221 = arith.constant 0 : i32
    %dma_wait3A_222 = tpu.memref_slice %arg3[%add3A_153, %dma_wait3A_221] : memref<4096x256xf32, #tpu.memory_space<hbm>> -> memref<32x256xf32, #tpu.memory_space<hbm>>
    %dma_wait3A_223 = arith.constant 0 : i32
    %dma_wait3A_224 = tpu.memref_slice %arg3[%add3A_153, %dma_wait3A_223] : memref<4096x256xf32, #tpu.memory_space<hbm>> -> memref<32x256xf32, #tpu.memory_space<hbm>>
    %dma_wait3A_225 = arith.constant 32 : i32
    %dma_wait3A_226 = arith.constant 0 : i32
    %dma_wait3A_227 = tpu.memref_slice %arg5[%dma_wait3A_225, %dma_wait3A_226] : memref<128x256xf32, #tpu.memory_space<vmem>> -> memref<32x256xf32, #tpu.memory_space<vmem>>
    tpu.wait_dma2 semaphore(%arg7 : memref<!tpu.dma_semaphore, #tpu.memory_space<semaphore_mem>>) src(%dma_wait3A_227 : memref<32x256xf32, #tpu.memory_space<vmem>>) dst(%dma_wait3A_224 : memref<32x256xf32, #tpu.memory_space<hbm>>)
    %dma_wait3A_228 = arith.constant 64 : i32
    %dma_wait3A_229 = arith.constant 0 : i32
    %dma_wait3A_230 = tpu.memref_slice %arg5[%dma_wait3A_228, %dma_wait3A_229] : memref<128x256xf32, #tpu.memory_space<vmem>> -> memref<32x256xf32, #tpu.memory_space<vmem>>
    %dma_wait3A_231 = arith.constant 0 : i32
    %dma_wait3A_232 = tpu.memref_slice %arg3[%add3A_175, %dma_wait3A_231] : memref<4096x256xf32, #tpu.memory_space<hbm>> -> memref<32x256xf32, #tpu.memory_space<hbm>>
    %dma_wait3A_233 = arith.constant 0 : i32
    %dma_wait3A_234 = tpu.memref_slice %arg3[%add3A_175, %dma_wait3A_233] : memref<4096x256xf32, #tpu.memory_space<hbm>> -> memref<32x256xf32, #tpu.memory_space<hbm>>
    %dma_wait3A_235 = arith.constant 64 : i32
    %dma_wait3A_236 = arith.constant 0 : i32
    %dma_wait3A_237 = tpu.memref_slice %arg5[%dma_wait3A_235, %dma_wait3A_236] : memref<128x256xf32, #tpu.memory_space<vmem>> -> memref<32x256xf32, #tpu.memory_space<vmem>>
    tpu.wait_dma2 semaphore(%arg7 : memref<!tpu.dma_semaphore, #tpu.memory_space<semaphore_mem>>) src(%dma_wait3A_237 : memref<32x256xf32, #tpu.memory_space<vmem>>) dst(%dma_wait3A_234 : memref<32x256xf32, #tpu.memory_space<hbm>>)
    %dma_wait3A_238 = arith.constant 96 : i32
    %dma_wait3A_239 = arith.constant 0 : i32
    %dma_wait3A_240 = tpu.memref_slice %arg5[%dma_wait3A_238, %dma_wait3A_239] : memref<128x256xf32, #tpu.memory_space<vmem>> -> memref<32x256xf32, #tpu.memory_space<vmem>>
    %dma_wait3A_241 = arith.constant 0 : i32
    %dma_wait3A_242 = tpu.memref_slice %arg3[%add3A_197, %dma_wait3A_241] : memref<4096x256xf32, #tpu.memory_space<hbm>> -> memref<32x256xf32, #tpu.memory_space<hbm>>
    %dma_wait3A_243 = arith.constant 0 : i32
    %dma_wait3A_244 = tpu.memref_slice %arg3[%add3A_197, %dma_wait3A_243] : memref<4096x256xf32, #tpu.memory_space<hbm>> -> memref<32x256xf32, #tpu.memory_space<hbm>>
    %dma_wait3A_245 = arith.constant 96 : i32
    %dma_wait3A_246 = arith.constant 0 : i32
    %dma_wait3A_247 = tpu.memref_slice %arg5[%dma_wait3A_245, %dma_wait3A_246] : memref<128x256xf32, #tpu.memory_space<vmem>> -> memref<32x256xf32, #tpu.memory_space<vmem>>
    tpu.wait_dma2 semaphore(%arg7 : memref<!tpu.dma_semaphore, #tpu.memory_space<semaphore_mem>>) src(%dma_wait3A_247 : memref<32x256xf32, #tpu.memory_space<vmem>>) dst(%dma_wait3A_244 : memref<32x256xf32, #tpu.memory_space<hbm>>)
    return
  }
}

</mosaic_0001>

<sc_bundles>
// kernel: kernel.3.cloned.1.call-start
scs
__scs_entry_jumppad:
0x0: {  	(pc) =	sbr.rel $0x88, $3  }
0x1: {  	(tag) =	ssettag $0x0;
	lr =	simm.s32 $0x1  }
0x2: {  	[smem:$0x3FA0] =	sst lr;
	_ =	strace $0xD0000000  }
0x3: {  	_ = 	snop  }
0x4: {  	_ = 	snop  }
0x5: {  	_ = 	snop  }
0x6: {  	_ = 	snop  }
0x7: {  	_ = 	snop  }
__scs_overlays_trampoline_lowered:
0x8: {  	[smem:$0x3FAF] =	sst s0  }
0x9: {  	[smem:$0x3FB0] =	sst s1  }
0xa: {  	[smem:$0x3FB1] =	sst s2  }
0xb: {  	[smem:$0x3FB2] =	sst s3  }
0xc: {  	[smem:$0x3FB3] =	sst s4  }
0xd: {  	[smem:$0x3FB4] =	sst s5  }
0xe: {  	[smem:$0x3FB5] =	sst s6  }
0xf: {  	[smem:$0x3FB6] =	sst s7  }
0x10: {  	[smem:$0x3FB7] =	sst s8  }
0x11: {  	[smem:$0x3FB8] =	sst s9;
	s0 =	simm.s32 @!p0 $0x0  }
0x12: {  	s1 =	sld [smem:$0x3F9E];
	s0 =	simm.s32 @p0 $0x1  }
0x13: {  	[smem:$0x3FB9] =	sst s0;
	s0 =	simm.s32 @!p1 $0x0  }
0x14: {  	s2 =	sld [smem:$0x3F9D];
	s0 =	simm.s32 @p1 $0x1  }
0x15: {  	[smem:$0x3FBA] =	sst s0;
	s0 =	simm.s32 @!p2 $0x0  }
0x16: {  	s3 =	sld [smem:$0x3FDB];
	s0 =	simm.s32 @p2 $0x1  }
0x17: {  	s4 =	simm.s32 $0x1BF5;
	[smem:$0x3FBC] =	sst s0  }
0x18: {  	s0 =	sld [smem:$0x3F9F];
	_ =	swait.ge [sflag:s4], $0x0  }
0x19: {  	s7 =	sld [smem:$0x3FA0]  }
0x1a: {  	s8 =	sadd.s32 $0xFFFFE003, lr  }
0x1b: {  	s9 =	sadd.s32 $0xFFFFFEF7, lr;
	s5 =	simm.s32 $0xFFFFFFFF;
	p2 =	slt.u32 s8, $0xFFFFF086  }
0x1c: {  	p1 =	slt.u32 s9, $0xF7A;
	s5 =	simm.s32 @!p2 $0x0  }
0x1d: {  	s5 =	simm.s32 @p1 $0x1;
	p0 =	seq.s32 s7, s2  }
0x1e: {  	s7 =	smul.u32 @!p0 $0xF7A, s2;
	p2 =	seq.s32 @!p0 s5, $0x0  }
0x1f: {  	s9 =	smul.u32 $0xF7A, s1;
	s8 =	simm.s32 @!p0 $0x1BF5;
	p2 =	por !p2, p0  }
0x20: {  	[sflag:s8] =	ssyncset.s32 @!p0 $0xFFFFF086;
	s6 =	sadd.s32 @!p0 s3, s7;
	s7 =	simm.s32 @!p0 $0x108  }
0x21: {  	s3 =	sadd.s32 s3, s9;
	s6 =	sadd.s32 @!p0 $0x88, s6;
	s7 =	simm.s32 @p2 $0x1082  }
0x22: {  	[simem:s7], [sflag:s8] =	dma.local @!p0 [hbm:s6], $0xF7A  }
0x23: {  	s9 =	sor.u32 $0xD0000000, s2;
	s6 =	simm.s32 $0x108;
	_ =	swait.ge @!p0 [sflag:s8], $0x0  }
0x24: {  	s3 =	sadd.s32 $0x88, s3;
	s6 =	simm.s32 @!p1 $0x1082;
	[sflag:s4] =	ssyncset.s32 $0xFFFFF086  }
0x25: {  	[simem:s6], [sflag:s4] =	dma.local [hbm:s3], $0xF7A  }
0x26: {  	[smem:$0x3FA0] =	sst s1;
	(tag) =	ssettag s2;
	_ =	strace s9  }
0x27: {  	s1 =	sld [smem:$0x3FB0]  }
0x28: {  	s2 =	sld [smem:$0x3FB1]  }
0x29: {  	s4 =	sld [smem:$0x3FB3]  }
0x2a: {  	p0 =	seq.s32 s5, $0x0;
	s5 =	sld [smem:$0x3FB4]  }
0x2b: {  	s6 =	sld [smem:$0x3FB5]  }
0x2c: {  	s7 =	sld [smem:$0x3FB6]  }
0x2d: {  	s3 =	simm.s32 $0x108;
	s8 =	sld [smem:$0x3FB7]  }
0x2e: {  	s3 =	simm.s32 @!p0 $0x1082;
	s9 =	sld [smem:$0x3FB8]  }
0x2f: {  	lr =	sadd.s32 s0, s3;
	s0 =	sld [smem:$0x3FAF]  }
0x30: {  	s3 =	sld [smem:$0x3FB2]  }
0x31: {  	[smem:$0x3FBB] =	sst s10  }
0x32: {  	s10 =	sld [smem:$0x3FB9];
	_ =	sdelay $0x3  }
0x33: {  	p0 =	seq.s32 s10, $0x1;
	s10 =	sld [smem:$0x3FBB];
	_ =	sdelay $0x3  }
0x34: {  	[smem:$0x3FBB] =	sst s10  }
0x35: {  	s10 =	sld [smem:$0x3FBA];
	_ =	sdelay $0x3  }
0x36: {  	p1 =	seq.s32 s10, $0x1;
	s10 =	sld [smem:$0x3FBB];
	_ =	sdelay $0x3  }
0x37: {  	[smem:$0x3FBB] =	sst s10  }
0x38: {  	s10 =	sld [smem:$0x3FBC]  }
0x39: {  	_ = 	snop;
	(pc) =	sbr.ind lr, $3  }
0x3a: {  	_ = 	snop  }
0x3b: {  	_ = 	snop  }
0x3c: {  	p2 =	seq.s32 s10, $0x1;
	s10 =	sld [smem:$0x3FBB]  }
0x3d: {  	_ =	shalt  }
0x3e: {  	_ =	shalt  }
0x3f: {  	_ =	shalt  }
0x40: {  	_ =	shalt  }
0x41: {  	_ =	shalt  }
0x42: {  	_ =	shalt  }
0x43: {  	_ =	shalt  }
0x44: {  	_ =	shalt  }
0x45: {  	_ =	shalt  }
0x46: {  	_ =	shalt  }
0x47: {  	_ =	shalt  }
0x48: {  	_ =	shalt  }
0x49: {  	_ =	shalt  }
0x4a: {  	_ =	shalt  }
0x4b: {  	_ =	shalt  }
0x4c: {  	_ =	shalt  }
0x4d: {  	_ =	shalt  }
0x4e: {  	_ =	shalt  }
0x4f: {  	_ =	shalt  }
0x50: {  	_ =	shalt  }
0x51: {  	_ =	shalt  }
0x52: {  	_ =	shalt  }
0x53: {  	_ =	shalt  }
0x54: {  	_ =	shalt  }
0x55: {  	_ =	shalt  }
0x56: {  	_ =	shalt  }
0x57: {  	_ =	shalt  }
0x58: {  	_ =	shalt  }
0x59: {  	_ =	shalt  }
0x5a: {  	_ =	shalt  }
0x5b: {  	_ =	shalt  }
0x5c: {  	_ =	shalt  }
0x5d: {  	_ =	shalt  }
0x5e: {  	_ =	shalt  }
0x5f: {  	_ =	shalt  }
0x60: {  	_ =	shalt  }
0x61: {  	_ =	shalt  }
0x62: {  	_ =	shalt  }
0x63: {  	_ =	shalt  }
0x64: {  	_ =	shalt  }
0x65: {  	_ =	shalt  }
0x66: {  	_ =	shalt  }
0x67: {  	_ =	shalt  }
0x68: {  	_ =	shalt  }
0x69: {  	_ =	shalt  }
0x6a: {  	_ =	shalt  }
0x6b: {  	_ =	shalt  }
0x6c: {  	_ =	shalt  }
0x6d: {  	_ =	shalt  }
0x6e: {  	_ =	shalt  }
0x6f: {  	_ =	shalt  }
0x70: {  	_ =	shalt  }
0x71: {  	_ =	shalt  }
0x72: {  	_ =	shalt  }
0x73: {  	_ =	shalt  }
0x74: {  	_ =	shalt  }
0x75: {  	_ =	shalt  }
0x76: {  	_ =	shalt  }
0x77: {  	_ =	shalt  }
0x78: {  	_ =	shalt  }
0x79: {  	_ =	shalt  }
0x7a: {  	_ =	shalt  }
0x7b: {  	_ =	shalt  }
0x7c: {  	_ =	shalt  }
0x7d: {  	_ =	shalt  }
0x7e: {  	_ =	shalt  }
0x7f: {  	_ =	shalt  }
0x80: {  	_ =	shalt  }
0x81: {  	_ =	shalt  }
0x82: {  	_ =	shalt  }
0x83: {  	_ =	shalt  }
0x84: {  	_ =	shalt  }
0x85: {  	_ =	shalt  }
0x86: {  	_ =	shalt  }
0x87: {  	_ =	shalt  }
.Lfunc_end0:
.L_simem_size_0:
called_computation_lowered:
.L_overlay_start_0:
0x88: {  	s2 =	sld [smem:$0x3FD9]  }
0x89: {  	s3 =	sld [smem:$0x3FFE];
	_ =	sdelay $0x1  }
0x8a: {  	s1 =	srdreg.scid  }
0x8b: {  	s0 =	sand.u32 $0x1, s1  }
0x8c: {  	s18 =	sshll.u32 s0, $0xA;
	s2 =	sadd.s32 s3, s2  }
0x8d: {  	s2 =	sadd.s32 s2, s18  }
0x8e: {  	[smem:$0x3FC7] =	sst s2  }
0x8f: {  	_ = 	snop  }
0x90: {  	s2 =	sld [smem:$0x3FC9]  }
0x91: {  	s19 =	sld [smem:$0x3FD0];
	(tm) =	ssettm $0x1  }
0x92: {  	s4 =	sld [smem:$0x3FFB];
	_ =	sdelay $0x3  }
0x93: {  	_ =	strace s4  }
0x94: {  	s4 =	sld [smem:$0x3FFC];
	_ =	sdelay $0x3  }
0x95: {  	_ =	strace s4  }
0x96: {  	s4 =	sld [smem:$0x3FFD];
	_ =	sdelay $0x3  }
0x97: {  	_ =	strace s4  }
0x98: {  	_ =	strace $0x8FFFFFFF  }
0x99: {  	s20 =	sld [smem:$0x3FDB];
	_ =	sdelay $0x1  }
0x9a: {  	s5 =	simm.s32 $_scs_section_size  }
0x9b: {  	s6 =	simm.s32 $_size__tile_overlayer_lowered;
	s7 =	simm.s32 $_tile_overlayer_lowered  }
0x9c: {  	s23 =	simm.s32 $0x1BFF;
	s22 =	sshll.u32 s7, $0x1;
	s4 =	sadd.s32 s5, s20  }
0x9d: {  	s8 =	simm.s32 $0x0;
	s21 =	sshll.u32 s6, $0x1;
	s6 =	sadd.s32 s22, s4  }
0x9e: {  	[timem:s8], [sflag:s23] =	dma.local [hbm:s6], s21  }
0x9f: {  	_ =	swait.ge [sflag:s23], s21  }
0xa0: {  	s5 =	ssub.s32 $0x0, s21;
	[sflag:s23] =	ssyncset.done $0x0  }
0xa1: {  	[sflag:s23] =	ssyncadd.s32 s5;
	_ =	sdelay $0x1  }
0xa2: {  	s24 =	simm.s32 $0x1B8B  }
0xa3: {  	_ =	swait.ge [sflag:s24], $0x1  }
0xa4: {  	[sflag:s24] =	ssyncset.done $0x0  }
0xa5: {  	s25 =	simm.s32 $0x1B8E;
	[sflag:s24] =	ssyncadd.s32 $0xFFFFFFFF  }
0xa6: {  	s26 =	simm.s32 $execute0_lowered;
	[smem:$0x3FD2] =	sst s25  }
0xa7: {  	s5 =	sshll.u32 s26, $0x1;
	_ =	strace $0x80000046;
	[dreg:$0x1] =	wrdreg $0xFFFFFFFF  }
0xa8: {  	s28 =	simm.s32 $_size_execute0_lowered;
	s4 =	sadd.s32 s4, s5;
	[dreg:$0x0] =	wrdreg $0x0  }
0xa9: {  	s5 =	sshll.u32 s28, $0x1;
	[dreg:$0x2] =	wrdreg s4  }
0xaa: {  	[dreg:$0x3] =	wrdreg s5  }
0xab: {  	[dreg:$0x4] =	wrdreg $0xC0  }
0xac: {  	_ =	task [dreg:s8], $0x5FFFF  }
0xad: {  	[dreg:$0x1] =	wrdreg $0xFFFFFFFF  }
0xae: {  	[dreg:$0x0] =	wrdreg $0x60  }
0xaf: {  	[dreg:$0x2] =	wrdreg s2  }
0xb0: {  	[dreg:$0x3] =	wrdreg s19  }
0xb1: {  	[dreg:$0x4] =	wrdreg $0x9  }
0xb2: {  	_ =	task.clear_ibuf [dreg:s8], $0x5FFFF;
	_ =	strace $0x90000046  }
0xb3: {  	s29 =	simm.s32 $0x9;
	_ =	strace $0x80000048  }
0xb4: {  	_ =	swait.ge [sflag:s29], $0x1  }
0xb5: {  	[sflag:s29] =	ssyncadd.s32 $0xFFFFFFFF  }
0xb6: {  	_ =	strace $0x90000048  }
0xb7: {  	_ =	sfence  }
0xb8: {  	s30 =	sld [smem:$0x0];
	_ =	sdelay $0x2  }
0xb9: {  	s31 =	sshll.u32 s1, $0xD;
	s1 =	sshrl.u32 s1, $0x2  }
0xba: {  	s3 =	sand.u32 $0x4000, s31;
	s1 =	sadd.s32 s1, s30  }
0xbb: {  	s0 =	sor.u32 s3, s0;
	s1 =	sshll.u32 s1, $0x11  }
0xbc: {  	s0 =	sor.u32 s1, s0  }
0xbd: {  	s0 =	sadd.s32 $0x8F2B, s0  }
0xbe: {  	[sflag:s0] =	ssyncadd.remote.s32 $0x1  }
0xbf: {  	_ =	sfence.sel $0xFFFF  }
0xc0: {  	[dreg:$0x0] =	wrdreg $0xFFFFFFFF;
	(pc) =	sbr.abs _section_cstart, $3  }
0xc1: {  	[dreg:$0x1] =	wrdreg $0xFFFFFFFF  }
0xc2: {  	_ =	task.clear_ibuf [dreg:s8], $0x2FFFF;
	_ =	strace $0x9FFFFFFF  }
0xc3: {  	(tm) =	ssettm $0x7FFFFFFF  }
tec
execute0_lowered:
.L_overlay_start_1:
0x0: {  	(tag) =	ssettag $0x1  }
0x1: {  	s1 =	rddreg [dreg:$0x0]  }
0x2: {  	s7 =	rddreg [dreg:$0x1]  }
0x3: {  	s0 =	rddreg [dreg:$0x2];
	s4 =	srdreg.scid  }
0x4: {  	s3 =	simm.s32 $0x0;
	s2 =	stileid.u32;
	s15 =	simm.s32 $0x3200  }
0x5: {  	s16 =	simm.s32 $0x3A00;
	s17 =	simm.s32 $0x4200;
	s18 =	simm.s32 $0x4A00  }
0x6: {  	s19 =	simm.s32 $0x5200;
	s20 =	simm.s32 $0x5A00;
	s24 =	simm.s32 $0x7A00  }
0x7: {  	s25 =	simm.s32 $0x1;
	s26 =	simm.s32 $0x2;
	s4 =	sand.u32 $0x1, s4  }
0x8: {  	s6 =	sshll.u32 s2, $0x8;
	s5 =	ssub.s32 $0x2, s4;
	s4 =	sshll.u32 s4, $0x7  }
0x9: {  	[smem:$0x7FF] =	sst s3;
	s8 =	sshrl.u32 s5, $0x1;
	s6 =	sor.u32 s4, s6  }
0xa: {  	v10 =	vlaneseq.u32;
	_ =	strace $0x80000047;
	s8 =	ssub.s32 s5, s8;
	s9 =	sor.u32 $0x10, s6  }
0xb: {  	v7 =	vshrl.u32 v10, $0x3;
	s10 =	sor.u32 $0x20, s6;
	s11 =	sor.u32 $0x30, s6;
	s12 =	sor.u32 $0x40, s6  }
0xc: {  	v7 =	vmul.u32 $0x8, v7;
	s21 =	sor.u32 $0x50, s6;
	s22 =	sor.u32 $0x60, s6;
	s4 =	sshll.u32 s6, $0x5;
	v0 =	vor.u32 s6, v10  }
0xd: {  	s23 =	sor.u32 $0x70, s6;
	s4 =	sadd.s32 s7, s4;
	s31 =	sshll.u32 s10, $0x5;
	v1 =	vor.u32 s9, v10;
	v2 =	vor.u32 s10, v10;
	v5 =	vshll.u32 v0, $0x1  }
0xe: {  	s13 =	sshll.u32 s12, $0x5;
	s14 =	sshll.u32 s22, $0x5;
	s8 =	smax.u32 s8, $0x1;
	v3 =	vor.u32 s11, v10;
	v6 =	vand.u32 $0x7FFFFF10, v5;
	v5 =	vand.u32 $0x7, v10  }
0xf: {  	s9 =	simm.s32 $0x200;
	s10 =	simm.s32 $0xA00;
	s11 =	simm.s32 $0x1200;
	v4 =	vor.u32 s12, v10;
	v8 =	vor.u32 v5, v6;
	v6 =	vor.u32 $0x8, v10  }
0x10: {  	s12 =	simm.s32 $0x1A00;
	v9 =	vor.u32 s22, v10;
	s22 =	simm.s32 $0x6A00;
	s5 =	sadd.s32 s7, s31;
	v11 =	vperm.xlane v8, v5;
	v12 =	vperm.xlane v8, v6  }
0x11: {  	vm0 =	vmmov $0xffff;
	s6 =	sadd.s32 s7, s13;
	s7 =	sadd.s32 s7, s14;
	s13 =	simm.s32 $0x2200;
	v8 =	vor.u32 s21, v10  }
0x12: {  	s14 =	simm.s32 $0x2A00;
	v10 =	vor.u32 s23, v10;
	s21 =	simm.s32 $0x6200;
	s23 =	simm.s32 $0x7200;
	v11 =	vadd.s32 v7, v11;
	v12 =	vadd.s32 v7, v12  }
.LBB2_1:
0x13: {  	[tilespmem:$0x0] =	vst v0  }
0x14: {  	[tilespmem:$0x10] =	vst v1  }
0x15: {  	[tilespmem:$0x80] =	vst v2  }
0x16: {  	[tilespmem:$0x90] =	vst v3  }
0x17: {  	[tilespmem:$0x100] =	vst v4  }
0x18: {  	[tilespmem:$0x110] =	vst v8  }
0x19: {  	[tilespmem:$0x180] =	vst v9  }
0x1a: {  	[tilespmem:$0x190] =	vst v10  }
0x1b: {  	[tilespmem:s9], [sflag:$0x1] =	stream.indirect_vreg.gather [hbm4b:s1+s3], $0x80, v11, vm0, $0xb8;
	[tilespmem:$0x8200] =	vst v63  }
0x1c: {  	_ = 	snop  }
0x1d: {  	[tilespmem:s10], [sflag:$0x1] =	stream.indirect_vreg.gather [hbm4b:s1+s3], $0x80, v12, vm0, $0xb8;
	[tilespmem:$0x8200] =	vst v63  }
0x1e: {  	v13 =	vld [tilespmem:$0x10];
	_ =	sdelay $0x4  }
0x1f: {  	v14 =	vshll.u32 v13, $0x1  }
0x20: {  	v13 =	vand.u32 $0x7, v13;
	v14 =	vand.u32 $0xFFFFFFF0, v14  }
0x21: {  	v13 =	vor.u32 v13, v14  }
0x22: {  	v14 =	vperm.xlane v13, v5;
	_ =	sdelay $0x1  }
0x23: {  	v13 =	vperm.xlane v13, v6;
	v14 =	vadd.s32 v7, v14;
	_ =	sdelay $0x1  }
0x24: {  	v13 =	vadd.s32 v7, v13;
	_ =	sdelay $0x2  }
0x25: {  	[tilespmem:s11], [sflag:$0x1] =	stream.indirect_vreg.gather [hbm4b:s1+s3], $0x80, v14, vm0, $0xb8;
	[tilespmem:$0x8200] =	vst v63  }
0x26: {  	_ = 	snop  }
0x27: {  	[tilespmem:s12], [sflag:$0x1] =	stream.indirect_vreg.gather [hbm4b:s1+s3], $0x80, v13, vm0, $0xb8;
	[tilespmem:$0x8200] =	vst v63  }
0x28: {  	v13 =	vld [tilespmem:$0x80];
	_ =	sdelay $0x4  }
0x29: {  	v14 =	vshll.u32 v13, $0x1  }
0x2a: {  	v13 =	vand.u32 $0x7, v13;
	v14 =	vand.u32 $0xFFFFFFF0, v14  }
0x2b: {  	v13 =	vor.u32 v13, v14  }
0x2c: {  	v14 =	vperm.xlane v13, v5;
	_ =	sdelay $0x1  }
0x2d: {  	v13 =	vperm.xlane v13, v6;
	v14 =	vadd.s32 v7, v14;
	_ =	sdelay $0x1  }
0x2e: {  	v13 =	vadd.s32 v7, v13;
	_ =	sdelay $0x2  }
0x2f: {  	[tilespmem:s13], [sflag:$0x1] =	stream.indirect_vreg.gather [hbm4b:s1+s3], $0x80, v14, vm0, $0xb8;
	[tilespmem:$0x8200] =	vst v63  }
0x30: {  	_ = 	snop  }
0x31: {  	[tilespmem:s14], [sflag:$0x1] =	stream.indirect_vreg.gather [hbm4b:s1+s3], $0x80, v13, vm0, $0xb8;
	[tilespmem:$0x8200] =	vst v63  }
0x32: {  	v13 =	vld [tilespmem:$0x90];
	_ =	sdelay $0x4  }
0x33: {  	v14 =	vshll.u32 v13, $0x1  }
0x34: {  	v13 =	vand.u32 $0x7, v13;
	v14 =	vand.u32 $0xFFFFFFF0, v14  }
0x35: {  	v13 =	vor.u32 v13, v14  }
0x36: {  	v14 =	vperm.xlane v13, v5;
	_ =	sdelay $0x1  }
0x37: {  	v13 =	vperm.xlane v13, v6;
	v14 =	vadd.s32 v7, v14;
	_ =	sdelay $0x1  }
0x38: {  	v13 =	vadd.s32 v7, v13;
	_ =	sdelay $0x2  }
0x39: {  	[tilespmem:s15], [sflag:$0x1] =	stream.indirect_vreg.gather [hbm4b:s1+s3], $0x80, v14, vm0, $0xb8;
	[tilespmem:$0x8200] =	vst v63  }
0x3a: {  	_ = 	snop  }
0x3b: {  	[tilespmem:s16], [sflag:$0x1] =	stream.indirect_vreg.gather [hbm4b:s1+s3], $0x80, v13, vm0, $0xb8;
	[tilespmem:$0x8200] =	vst v63  }
0x3c: {  	v13 =	vld [tilespmem:$0x100];
	_ =	sdelay $0x4  }
0x3d: {  	v14 =	vshll.u32 v13, $0x1  }
0x3e: {  	v13 =	vand.u32 $0x7, v13;
	v14 =	vand.u32 $0xFFFFFFF0, v14  }
0x3f: {  	v13 =	vor.u32 v13, v14  }
0x40: {  	v14 =	vperm.xlane v13, v5;
	_ =	sdelay $0x1  }
0x41: {  	v13 =	vperm.xlane v13, v6;
	v14 =	vadd.s32 v7, v14;
	_ =	sdelay $0x1  }
0x42: {  	v13 =	vadd.s32 v7, v13;
	_ =	sdelay $0x2  }
0x43: {  	[tilespmem:s17], [sflag:$0x1] =	stream.indirect_vreg.gather [hbm4b:s1+s3], $0x80, v14, vm0, $0xb8;
	[tilespmem:$0x8200] =	vst v63  }
0x44: {  	_ = 	snop  }
0x45: {  	[tilespmem:s18], [sflag:$0x1] =	stream.indirect_vreg.gather [hbm4b:s1+s3], $0x80, v13, vm0, $0xb8;
	[tilespmem:$0x8200] =	vst v63  }
0x46: {  	v13 =	vld [tilespmem:$0x110];
	_ =	sdelay $0x4  }
0x47: {  	v14 =	vshll.u32 v13, $0x1  }
0x48: {  	v13 =	vand.u32 $0x7, v13;
	v14 =	vand.u32 $0xFFFFFFF0, v14  }
0x49: {  	v13 =	vor.u32 v13, v14  }
0x4a: {  	v14 =	vperm.xlane v13, v5;
	_ =	sdelay $0x1  }
0x4b: {  	v13 =	vperm.xlane v13, v6;
	v14 =	vadd.s32 v7, v14;
	_ =	sdelay $0x1  }
0x4c: {  	v13 =	vadd.s32 v7, v13;
	_ =	sdelay $0x2  }
0x4d: {  	[tilespmem:s19], [sflag:$0x1] =	stream.indirect_vreg.gather [hbm4b:s1+s3], $0x80, v14, vm0, $0xb8;
	[tilespmem:$0x8200] =	vst v63  }
0x4e: {  	_ = 	snop  }
0x4f: {  	[tilespmem:s20], [sflag:$0x1] =	stream.indirect_vreg.gather [hbm4b:s1+s3], $0x80, v13, vm0, $0xb8;
	[tilespmem:$0x8200] =	vst v63  }
0x50: {  	v13 =	vld [tilespmem:$0x180];
	_ =	sdelay $0x4  }
0x51: {  	v14 =	vshll.u32 v13, $0x1  }
0x52: {  	v13 =	vand.u32 $0x7, v13;
	v14 =	vand.u32 $0xFFFFFFF0, v14  }
0x53: {  	v13 =	vor.u32 v13, v14  }
0x54: {  	v14 =	vperm.xlane v13, v5;
	_ =	sdelay $0x1  }
0x55: {  	v13 =	vperm.xlane v13, v6;
	v14 =	vadd.s32 v7, v14;
	_ =	sdelay $0x1  }
0x56: {  	v13 =	vadd.s32 v7, v13;
	_ =	sdelay $0x2  }
0x57: {  	[tilespmem:s21], [sflag:$0x1] =	stream.indirect_vreg.gather [hbm4b:s1+s3], $0x80, v14, vm0, $0xb8;
	[tilespmem:$0x8200] =	vst v63  }
0x58: {  	_ = 	snop  }
0x59: {  	[tilespmem:s22], [sflag:$0x1] =	stream.indirect_vreg.gather [hbm4b:s1+s3], $0x80, v13, vm0, $0xb8;
	[tilespmem:$0x8200] =	vst v63  }
0x5a: {  	v13 =	vld [tilespmem:$0x190];
	_ =	sdelay $0x4  }
0x5b: {  	v14 =	vshll.u32 v13, $0x1  }
0x5c: {  	v13 =	vand.u32 $0x7, v13;
	v14 =	vand.u32 $0xFFFFFFF0, v14  }
0x5d: {  	v13 =	vor.u32 v13, v14  }
0x5e: {  	v14 =	vperm.xlane v13, v5;
	_ =	sdelay $0x1  }
0x5f: {  	v13 =	vperm.xlane v13, v6;
	v14 =	vadd.s32 v7, v14;
	_ =	sdelay $0x1  }
0x60: {  	v13 =	vadd.s32 v7, v13;
	_ =	sdelay $0x2  }
0x61: {  	[tilespmem:s23], [sflag:$0x1] =	stream.indirect_vreg.gather [hbm4b:s1+s3], $0x80, v14, vm0, $0xb8;
	[tilespmem:$0x8200] =	vst v63  }
0x62: {  	_ = 	snop  }
0x63: {  	[tilespmem:s24], [sflag:$0x1] =	stream.indirect_vreg.gather [hbm4b:s1+s3], $0x80, v13, vm0, $0xb8;
	[tilespmem:$0x8200] =	vst v63  }
0x64: {  	_ =	swait.ge [sflag:s25], $0x2000  }
0x65: {  	[sflag:s25] =	ssyncset.done $0x0  }
0x66: {  	[sflag:s25] =	ssyncadd.s32 $0xFFFFE000  }
0x67: {  	[hbm4b:s4+s3] =	stream.linear.scatter [tilespmem:s9], [sflag:$0x2], $0x2000, $0x38;
	[tilespmem:$0x8200] =	vst v63  }
0x68: {  	_ =	swait.ge [sflag:s25], $0x2000  }
0x69: {  	[sflag:s25] =	ssyncset.done $0x0  }
0x6a: {  	[sflag:s25] =	ssyncadd.s32 $0xFFFFE000  }
0x6b: {  	[hbm4b:s5+s3] =	stream.linear.scatter [tilespmem:s13], [sflag:$0x2], $0x2000, $0x38;
	[tilespmem:$0x8200] =	vst v63  }
0x6c: {  	_ =	swait.ge [sflag:s25], $0x2000  }
0x6d: {  	[sflag:s25] =	ssyncset.done $0x0  }
0x6e: {  	[sflag:s25] =	ssyncadd.s32 $0xFFFFE000  }
0x6f: {  	[hbm4b:s6+s3] =	stream.linear.scatter [tilespmem:s17], [sflag:$0x2], $0x2000, $0x38;
	[tilespmem:$0x8200] =	vst v63  }
0x70: {  	_ =	swait.ge [sflag:s25], $0x2000  }
0x71: {  	[sflag:s25] =	ssyncset.done $0x0  }
0x72: {  	[sflag:s25] =	ssyncadd.s32 $0xFFFFE000  }
0x73: {  	[hbm4b:s7+s3] =	stream.linear.scatter [tilespmem:s21], [sflag:$0x2], $0x2000, $0x38;
	[tilespmem:$0x8200] =	vst v63  }
0x74: {  	_ =	swait.ge [sflag:s26], $0x2000  }
0x75: {  	[sflag:s26] =	ssyncset.done $0x0  }
0x76: {  	[sflag:s26] =	ssyncadd.s32 $0xFFFFE000  }
0x77: {  	_ =	swait.ge [sflag:s26], $0x2000  }
0x78: {  	[sflag:s26] =	ssyncset.done $0x0  }
0x79: {  	[sflag:s26] =	ssyncadd.s32 $0xFFFFE000  }
0x7a: {  	p0 =	sne.s32 s8, $0x1;
	_ =	swait.ge [sflag:s26], $0x2000  }
.Ltmp0:
0x7b: {  	[sflag:s26] =	ssyncset.done $0x0;
	(pc) =	sbr.rel @p0 .LBB2_1-.Ltmp0, $4  }
0x7c: {  	[sflag:s26] =	ssyncadd.s32 $0xFFFFE000  }
0x7d: {  	_ =	swait.ge [sflag:s26], $0x2000  }
0x7e: {  	[sflag:s26] =	ssyncset.done $0x0  }
0x7f: {  	s8 =	sadd.s32 $0xFFFFFFFF, s8;
	[sflag:s26] =	ssyncadd.s32 $0xFFFFE000  }
0x80: {  	_ =	sfence.sel $0x180000  }
0x81: {  	[bflag:$0x0] =	sbarrier.arrive $0xFFFF  }
0x82: {  	p0 =	sne.s32 s2, $0x0;
	_ =	strace $0x90000047  }
0x83: {  	s0 =	sadd.s32 @!p0 $0x100000, s0;
	[bflag:$0x2] =	sbarrier.arrive $0xFFFF  }
0x84: {  	[sflag:s0] =	ssyncadd.tile.s32 @!p0 $0x1;
	_ =	shalt  }
.Lfunc_end2:
_tile_overlayer_lowered:
.L_overlay_start_2:
0x85: {  	(tag) =	ssettag $0x2  }
0x86: {  	s0 =	rddreg [dreg:$0x0];
	s2 =	stileid.u32  }
0x87: {  	s1 =	rddreg [dreg:$0x1];
	p0 =	sne.s32 s2, $0x0  }
0x88: {  	s3 =	rddreg [dreg:$0x2];
	[bflag:$0x3] =	sbarrier.arrive $0xFFFF;
	s2 =	simm.s32 @!p0 $0x1C03  }
0x89: {  	[timem:s3], [sflag:s2] =	dma.local @!p0 [hbm:s0], s1  }
0x8a: {  	s0 =	simm.s32 @!p0 $0x3  }
0x8b: {  	_ =	swait.ge @!p0 [sflag:s0], s1  }
0x8c: {  	s1 =	ssub.s32 @!p0 $0x0, s1;
	[sflag:s0] =	ssyncset.done @!p0 $0x0  }
0x8d: {  	[sflag:s0] =	ssyncadd.s32 @!p0 s1  }
0x8e: {  	[bflag:$0x3] =	sbarrier.arrive $0xFFFF  }
0x8f: {  	_ =	shalt  }

</sc_bundles>
